<compile_context>
chip_gen: v7x
topology: tpu7x:2x2x1
jax: 0.10.2.dev20260603
libtpu: 0.0.44.dev20260713+nightly
codegen_flags: <defaults>
</compile_context>

<pallas_src>
import functools

import jax
import jax.numpy as jnp
from jax.experimental import pallas as pl
from jax.experimental.pallas import tpu as pltpu
from jax.experimental.pallas import tpu_sc as plsc

CODES_DIM = 64
CODES_CNT = 8192
COMMIT = 0.25


_TB = 2048
_CB = 2048
_SCHUNK = 2048 // _CB


def _vq_dist_kernel(x_ref, cb_ref, val_ref, idx_ref):
    j = pl.program_id(1)
    x = x_ref[...]
    cbk = cb_ref[...]
    xy = jax.lax.dot_general(x.astype(jnp.bfloat16), cbk.astype(jnp.bfloat16),
                             (((1,), (1,)), ((), ())),
                             preferred_element_type=jnp.float32)
    x2 = jnp.sum(x * x, axis=1)[:, None]
    y2 = jnp.sum(cbk * cbk, axis=1)[None, :]
    d = (x2 + y2) - 2.0 * xy
    lmin = jnp.min(d, axis=1, keepdims=True)
    cols = jax.lax.broadcasted_iota(jnp.int32, (_TB, _CB), 1).astype(jnp.float32)
    lidx = jnp.min(jnp.where(d <= lmin, cols, jnp.float32(2.0 ** 30)),
                   axis=1, keepdims=True)
    larg = lidx.astype(jnp.int32) + j * _CB

    @pl.when(j == 0)
    def _():
        val_ref[...] = lmin
        idx_ref[...] = larg

    @pl.when((j > 0) & (j % _SCHUNK == 0))
    def _():
        val_ref[...] = val_ref[...].astype(jnp.bfloat16).astype(jnp.float32)

    @pl.when(j > 0)
    def _():
        prev_v = val_ref[...]
        prev_i = idx_ref[...]
        better = lmin < prev_v
        val_ref[...] = jnp.where(better, lmin, prev_v)
        idx_ref[...] = jnp.where(better, larg, prev_i)


def _vq_argmin(xt, cb):
    T = xt.shape[0]
    n_tb = T // _TB
    n_cb = CODES_CNT // _CB
    vals, idxs = pl.pallas_call(
        _vq_dist_kernel,
        grid=(n_tb, n_cb),
        in_specs=[
            pl.BlockSpec((_TB, CODES_DIM), lambda i, j: (i, 0)),
            pl.BlockSpec((_CB, CODES_DIM), lambda i, j: (j, 0)),
        ],
        out_specs=[
            pl.BlockSpec((_TB, 1), lambda i, j: (i, 0)),
            pl.BlockSpec((_TB, 1), lambda i, j: (i, 0)),
        ],
        out_shape=[
            jax.ShapeDtypeStruct((T, 1), jnp.float32),
            jax.ShapeDtypeStruct((T, 1), jnp.int32),
        ],
    )(xt, cb)
    return vals.reshape(T), idxs.reshape(T)



def _sc_gather(cb, ind):
    info = plsc.get_sparse_core_info()
    ncores = info.num_cores
    nw = ncores * info.num_subcores
    B = ind.shape[0]
    D = cb.shape[1]
    bpw = B // nw
    mesh = plsc.VectorSubcoreMesh(core_axis_name="c", subcore_axis_name="s")

    @functools.partial(
        pl.kernel, mesh=mesh,
        out_type=jax.ShapeDtypeStruct((B, D), jnp.float32),
        scratch_types=[
            pltpu.VMEM((bpw,), jnp.int32),
            pltpu.VMEM((bpw, D), jnp.float32),
            pltpu.SemaphoreType.DMA,
        ],
    )
    def k(table_hbm, idx_hbm, out_hbm, idx_v, rows_v, sem):
        wid = jax.lax.axis_index("s") * ncores + jax.lax.axis_index("c")
        base = wid * bpw
        pltpu.sync_copy(idx_hbm.at[pl.ds(base, bpw)], idx_v)
        pltpu.async_copy(table_hbm.at[idx_v], rows_v, sem).wait()
        pltpu.sync_copy(rows_v, out_hbm.at[pl.ds(base, bpw)])

    return k(cb, ind)



def _conv1d(x, w, s, p):
    return jax.lax.conv_general_dilated(
        x, w, (s,), [(p, p)], dimension_numbers=('NCH', 'OIH', 'NCH'))


def _convT1d(x, w, s, p):
    k = w.shape[2]
    w2 = jnp.transpose(jnp.flip(w, 2), (1, 0, 2))
    return jax.lax.conv_general_dilated(
        x, w2, (1,), [(k - 1 - p, k - 1 - p)], lhs_dilation=(s,),
        dimension_numbers=('NCH', 'OIH', 'NCH'))


def _bn(x):
    m = jnp.mean(x, axis=(0, 2), keepdims=True)
    v = jnp.var(x, axis=(0, 2), keepdims=True)
    return (x - m) / jnp.sqrt(v + 1e-5)


def _resblock(x, w1, w2):
    h = jax.nn.relu(x)
    h = _conv1d(h, w1, 1, 1)
    h = _bn(h)
    h = jax.nn.relu(h)
    h = _conv1d(h, w2, 1, 0)
    return _bn(x + h)


def kernel(x, cb, ew1, ew2, er1a, er1b, er2a, er2b, ew3, ew4,
           dw1, dw2, dr1a, dr1b, dr2a, dr2b, dw3, dw4):
    h = _conv1d(x, ew1, 2, 1)
    h = jax.nn.relu(h)
    h = _conv1d(h, ew2, 2, 1)
    h = _bn(h)
    h = _resblock(h, er1a, er1b)
    h = _resblock(h, er2a, er2b)
    h = jax.nn.relu(h)
    h = _conv1d(h, ew3, 2, 1)
    h = _bn(h)
    h = jax.nn.relu(h)
    z = _conv1d(h, ew4, 1, 1)

    b, c, L = z.shape
    xt = jnp.transpose(z, (1, 0, 2)).reshape(c, -1).T

    mind, ind = _vq_argmin(xt, cb)
    loss = (1.0 + COMMIT) * jnp.sum(mind) / (c * b * L)

    cb_pad = jnp.concatenate([cb, jnp.zeros_like(cb)], axis=1)
    qs = _sc_gather(cb_pad, ind)[:, :CODES_DIM]
    zq = jnp.transpose(qs.T.reshape(c, b, L), (1, 0, 2))

    h = _convT1d(zq, dw1, 1, 1)
    h = _bn(h)
    h = jax.nn.relu(h)
    h = _convT1d(h, dw2, 2, 1)
    h = _bn(h)
    h = _resblock(h, dr1a, dr1b)
    h = _resblock(h, dr2a, dr2b)
    h = jax.nn.relu(h)
    h = _convT1d(h, dw3, 2, 1)
    h = _bn(h)
    h = jax.nn.relu(h)
    h = _convT1d(h, dw4, 2, 1)
    x_rec = jnp.tanh(h)
    return (loss, x_rec)

# --- scband reference (transcript-rebuilt; emitter-appended) ---
"""Pipeline reference for scband-vq-vae-14499809591799 (READ-ONLY COPY).

The authoritative reference and input builder live on the scoring server;
editing this copy changes nothing except your own understanding.
"""

import jax, jax.numpy as jnp
import numpy as np

INIT_C = 1
CODES_DIM = 64
CODES_CNT = 8192
COMMIT = 0.25
CH = 4

def conv1d(x, w, s, p):
    return jax.lax.conv_general_dilated(x, w, (s,), [(p, p)], dimension_numbers=('NCH', 'OIH', 'NCH'))

def convT1d(x, w, s, p):
    k = w.shape[2]
    w2 = jnp.transpose(jnp.flip(w, 2), (1, 0, 2))
    return jax.lax.conv_general_dilated(x, w2, (1,), [(k - 1 - p, k - 1 - p)], lhs_dilation=(s,), dimension_numbers=('NCH', 'OIH', 'NCH'))

def bn(x):
    m = jnp.mean(x, axis=(0, 2), keepdims=True)
    v = jnp.var(x, axis=(0, 2), keepdims=True)
    return (x - m) / jnp.sqrt(v + 1e-5)

def resblock(x, w1, w2):
    h = jax.nn.relu(x)
    h = conv1d(h, w1, 1, 1)
    h = bn(h)
    h = jax.nn.relu(h)
    h = conv1d(h, w2, 1, 0)
    return bn(x + h)

def _encode(x, ew1, ew2, er1a, er1b, er2a, er2b, ew3, ew4):
    h = conv1d(x, ew1, 2, 1)
    h = jax.nn.relu(h)
    h = conv1d(h, ew2, 2, 1)
    h = bn(h)
    h = resblock(h, er1a, er1b)
    h = resblock(h, er2a, er2b)
    h = jax.nn.relu(h)
    h = conv1d(h, ew3, 2, 1)
    h = bn(h)
    h = jax.nn.relu(h)
    return conv1d(h, ew4, 1, 1)

def _vq(z, cb):
    b, c, L = z.shape
    xf = jnp.transpose(z, (1, 0, 2)).reshape(c, -1)
    X2 = jnp.sum(xf ** 2, axis=0, keepdims=True)
    Y2 = jnp.sum(cb ** 2, axis=1, keepdims=True)
    XY = jnp.einsum('ct,dc->dt', xf, cb)
    ords = X2 + Y2 - 2.0 * XY
    enc_ind = jnp.argmin(ords, axis=0)
    qs = jnp.take(cb, enc_ind, axis=0).T
    loss = jnp.mean((qs - jax.lax.stop_gradient(xf)) ** 2) + COMMIT * jnp.mean((jax.lax.stop_gradient(qs) - xf) ** 2)
    qs = xf + jax.lax.stop_gradient(qs - xf)
    qs = jnp.transpose(qs.reshape(c, b, L), (1, 0, 2))
    return loss, qs

def _decode(z, dw1, dw2, dr1a, dr1b, dr2a, dr2b, dw3, dw4):
    h = convT1d(z, dw1, 1, 1)
    h = bn(h)
    h = jax.nn.relu(h)
    h = convT1d(h, dw2, 2, 1)
    h = bn(h)
    h = resblock(h, dr1a, dr1b)
    h = resblock(h, dr2a, dr2b)
    h = jax.nn.relu(h)
    h = convT1d(h, dw3, 2, 1)
    h = bn(h)
    h = jax.nn.relu(h)
    h = convT1d(h, dw4, 2, 1)
    return jnp.tanh(h)

def setup_inputs(seed: int = 0):
    key = jax.random.key(seed)
    ks = jax.random.split(key, 20)
    f = lambda i, sh: jax.random.normal(ks[i], sh, dtype=jnp.float32) * 0.05
    return {
        'x': jax.random.normal(ks[0], (8, INIT_C, 8192), dtype=jnp.float32),
        'cb': f(1, (CODES_CNT, CODES_DIM)),
        'ew1': f(2, (8 * CH, INIT_C, 4)),
        'ew2': f(3, (16 * CH, 8 * CH, 4)),
        'er1a': f(4, (16 * CH, 16 * CH, 3)),
        'er1b': f(5, (16 * CH, 16 * CH, 1)),
        'er2a': f(6, (16 * CH, 16 * CH, 3)),
        'er2b': f(7, (16 * CH, 16 * CH, 1)),
        'ew3': f(8, (32 * CH, 16 * CH, 4)),
        'ew4': f(9, (CODES_DIM, 32 * CH, 3)),
        'dw1': f(10, (CODES_DIM, 32 * CH, 3)),
        'dw2': f(11, (32 * CH, 16 * CH, 4)),
        'dr1a': f(12, (16 * CH, 16 * CH, 3)),
        'dr1b': f(13, (16 * CH, 16 * CH, 1)),
        'dr2a': f(14, (16 * CH, 16 * CH, 3)),
        'dr2b': f(15, (16 * CH, 16 * CH, 1)),
        'dw3': f(16, (16 * CH, 8 * CH, 4)),
        'dw4': f(17, (8 * CH, INIT_C, 4)),
    }

def reference(x, cb, ew1, ew2, er1a, er1b, er2a, er2b, ew3, ew4, dw1, dw2, dr1a, dr1b, dr2a, dr2b, dw3, dw4):
    z = _encode(x, ew1, ew2, er1a, er1b, er2a, er2b, ew3, ew4)
    loss, zq = _vq(z, cb)
    x_rec = _decode(zq, dw1, dw2, dr1a, dr1b, dr2a, dr2b, dw3, dw4)
    return (loss, x_rec)

if __name__ == "__main__":
    import jax
    _d = setup_inputs()
    print(jax.jit(kernel)(*tuple(_d.values())))

</pallas_src>

<mosaic_0001>
#map = affine_map<(d0, d1) -> (0, 0)>
#map1 = affine_map<(d0, d1) -> (0)>
module attributes {stable_mosaic.version = 14 : i64} {
  func.func @k(%arg0: i32, %arg1: i32, %arg2: memref<8192x128xf32, #tpu.memory_space<hbm>>, %arg3: memref<8192xi32, #tpu.memory_space<hbm>>, %arg4: memref<8192x128xf32, #tpu.memory_space<hbm>>, %arg5: memref<256xi32, #tpu.memory_space<vmem>>, %arg6: memref<256x128xf32, #tpu.memory_space<vmem>>, %arg7: memref<!tpu.dma_semaphore, #tpu.memory_space<semaphore_mem>>) attributes {dimension_semantics = [#tpu.dimension_semantics<core_parallel>, #tpu.dimension_semantics<subcore_parallel>], iteration_bounds = array<i64: 2, 16>, scalar_prefetch = 0 : i64, scratch_operands = 3 : i64, tpu.core_type = #tpu.core_type<sc_vector_subcore>, window_params = [{transform_indices = #map}, {transform_indices = #map1}, {transform_indices = #map}]} {
    %mul3A = arith.constant 2 : i32
    %mul3A_0 = arith.muli %arg1, %mul3A : i32
    %add3A = arith.addi %mul3A_0, %arg0 : i32
    %mul3A_1 = arith.constant 256 : i32
    %mul3A_2 = arith.muli %add3A, %mul3A_1 : i32
    "tpu.region"() ({
      %run_scoped3A = tpu.sem_alloc : memref<!tpu.dma_semaphore, #tpu.memory_space<semaphore_mem>>
      %dma_start3A_7 = tpu.memref_slice %arg3[%mul3A_2] : memref<8192xi32, #tpu.memory_space<hbm>> -> memref<256xi32, #tpu.memory_space<hbm>>
      %dma_start3A_8 = tpu.memref_slice %arg3[%mul3A_2] : memref<8192xi32, #tpu.memory_space<hbm>> -> memref<256xi32, #tpu.memory_space<hbm>>
      tpu.enqueue_dma source(%dma_start3A_8 : memref<256xi32, #tpu.memory_space<hbm>>) target(%arg5 : memref<256xi32, #tpu.memory_space<vmem>>) target_semaphore(%run_scoped3A : memref<!tpu.dma_semaphore, #tpu.memory_space<semaphore_mem>>)
      %dma_wait3A_9 = tpu.memref_slice %arg3[%mul3A_2] : memref<8192xi32, #tpu.memory_space<hbm>> -> memref<256xi32, #tpu.memory_space<hbm>>
      %dma_wait3A_10 = tpu.memref_slice %arg3[%mul3A_2] : memref<8192xi32, #tpu.memory_space<hbm>> -> memref<256xi32, #tpu.memory_space<hbm>>
      tpu.wait_dma2 semaphore(%run_scoped3A : memref<!tpu.dma_semaphore, #tpu.memory_space<semaphore_mem>>) src(%dma_wait3A_10 : memref<256xi32, #tpu.memory_space<hbm>>) dst(%arg5 : memref<256xi32, #tpu.memory_space<vmem>>)
      tpu.yield
    }) : () -> ()
    %dma_start3A = arith.constant 0 : i32
    %dma_start3A_3 = arith.constant 0 : i32
    %dma_start3A_4 = tpu.memref_slice %arg2[%dma_start3A, %dma_start3A_3] : memref<8192x128xf32, #tpu.memory_space<hbm>> -> memref<8192x128xf32, #tpu.memory_space<hbm>>
    tpu.enqueue_indirect_dma source(%dma_start3A_4 : memref<8192x128xf32, #tpu.memory_space<hbm>>) target(%arg6 : memref<256x128xf32, #tpu.memory_space<vmem>>) offsets(%arg5 : memref<256xi32, #tpu.memory_space<vmem>>) semaphore(%arg7 : memref<!tpu.dma_semaphore, #tpu.memory_space<semaphore_mem>>)
    %dma_wait3A = arith.constant 0 : i32
    %dma_wait3A_5 = arith.constant 0 : i32
    %dma_wait3A_6 = tpu.memref_slice %arg2[%dma_wait3A, %dma_wait3A_5] : memref<8192x128xf32, #tpu.memory_space<hbm>> -> memref<8192x128xf32, #tpu.memory_space<hbm>>
    tpu.wait_indirect_dma semaphore(%arg7 : memref<!tpu.dma_semaphore, #tpu.memory_space<semaphore_mem>>) src(%dma_wait3A_6 : memref<8192x128xf32, #tpu.memory_space<hbm>>) dst(%arg6 : memref<256x128xf32, #tpu.memory_space<vmem>>)
    "tpu.region"() ({
      %run_scoped3A = tpu.sem_alloc : memref<!tpu.dma_semaphore, #tpu.memory_space<semaphore_mem>>
      %dma_start3A_7 = arith.constant 0 : i32
      %dma_start3A_8 = tpu.memref_slice %arg4[%mul3A_2, %dma_start3A_7] : memref<8192x128xf32, #tpu.memory_space<hbm>> -> memref<256x128xf32, #tpu.memory_space<hbm>>
      %dma_start3A_9 = arith.constant 0 : i32
      %dma_start3A_10 = tpu.memref_slice %arg4[%mul3A_2, %dma_start3A_9] : memref<8192x128xf32, #tpu.memory_space<hbm>> -> memref<256x128xf32, #tpu.memory_space<hbm>>
      tpu.enqueue_dma source(%arg6 : memref<256x128xf32, #tpu.memory_space<vmem>>) target(%dma_start3A_10 : memref<256x128xf32, #tpu.memory_space<hbm>>) target_semaphore(%run_scoped3A : memref<!tpu.dma_semaphore, #tpu.memory_space<semaphore_mem>>)
      %dma_wait3A_11 = arith.constant 0 : i32
      %dma_wait3A_12 = tpu.memref_slice %arg4[%mul3A_2, %dma_wait3A_11] : memref<8192x128xf32, #tpu.memory_space<hbm>> -> memref<256x128xf32, #tpu.memory_space<hbm>>
      %dma_wait3A_13 = arith.constant 0 : i32
      %dma_wait3A_14 = tpu.memref_slice %arg4[%mul3A_2, %dma_wait3A_13] : memref<8192x128xf32, #tpu.memory_space<hbm>> -> memref<256x128xf32, #tpu.memory_space<hbm>>
      tpu.wait_dma2 semaphore(%run_scoped3A : memref<!tpu.dma_semaphore, #tpu.memory_space<semaphore_mem>>) src(%arg6 : memref<256x128xf32, #tpu.memory_space<vmem>>) dst(%dma_wait3A_14 : memref<256x128xf32, #tpu.memory_space<hbm>>)
      tpu.yield
    }) : () -> ()
    return
  }
}

module attributes {stable_mosaic.version = 14 : i64} {
  func.func @_vq_dist_kernel(%arg0: i32, %arg1: i32, %arg2: memref<2048x64xf32, #tpu.memory_space<vmem>>, %arg3: memref<2048x64xf32, #tpu.memory_space<vmem>>, %arg4: memref<2048x1xf32, #tpu.memory_space<vmem>>, %arg5: memref<2048x1xi32, #tpu.memory_space<vmem>>) attributes {dimension_semantics = [#tpu.dimension_semantics<arbitrary>, #tpu.dimension_semantics<arbitrary>], iteration_bounds = array<i64: 4, 4>, scalar_prefetch = 0 : i64, scratch_operands = 0 : i64, tpu.core_type = #tpu.core_type<tc>, window_params = [{transform_indices = @transform_0, window_bounds = array<i64: 2048, 64>}, {transform_indices = @transform_1, window_bounds = array<i64: 2048, 64>}, {transform_indices = @transform_2, window_bounds = array<i64: 2048, 1>}, {transform_indices = @transform_3, window_bounds = array<i64: 2048, 1>}]} {
    %get3A = arith.constant 0 : index
    %get3A_0 = arith.constant 0 : index
    %get3A_1 = vector.load %arg2[%get3A, %get3A_0] : memref<2048x64xf32, #tpu.memory_space<vmem>>, vector<2048x64xf32>
    %get3A_2 = arith.constant 0 : index
    %get3A_3 = arith.constant 0 : index
    %get3A_4 = vector.load %arg3[%get3A_2, %get3A_3] : memref<2048x64xf32, #tpu.memory_space<vmem>>, vector<2048x64xf32>
    %convert_element_type3A = arith.truncf %get3A_1 : vector<2048x64xf32> to vector<2048x64xbf16>
    %convert_element_type3A_5 = arith.truncf %get3A_4 : vector<2048x64xf32> to vector<2048x64xbf16>
    %dot_general3A = arith.constant dense<0.000000e+00> : vector<2048x2048xf32>
    %dot_general3A_6 = tpu.matmul %convert_element_type3A, %convert_element_type3A_5, %dot_general3A {dimension_numbers = #tpu.dot_dimension_numbers<[1], [1], [0], [0], [0, 0, 1, 0], [], []>, transpose_lhs_hint = false} : vector<2048x64xbf16>, vector<2048x64xbf16>, vector<2048x2048xf32> -> vector<2048x2048xf32>
    %mul3A = arith.mulf %get3A_1, %get3A_1 : vector<2048x64xf32>
    %reduce_sum3A = arith.constant dense<0.000000e+00> : vector<2048xf32>
    %reduce_sum3A_7 = vector.multi_reduction <add>, %mul3A, %reduce_sum3A [1] : vector<2048x64xf32> to vector<2048xf32>
    %broadcast_in_dim3A = vector.shape_cast %reduce_sum3A_7 : vector<2048xf32> to vector<2048x1xf32>
    %mul3A_8 = arith.mulf %get3A_4, %get3A_4 : vector<2048x64xf32>
    %reduce_sum3A_9 = arith.constant dense<0.000000e+00> : vector<2048xf32>
    %reduce_sum3A_10 = vector.multi_reduction <add>, %mul3A_8, %reduce_sum3A_9 [1] : vector<2048x64xf32> to vector<2048xf32>
    %broadcast_in_dim3A_11 = vector.shape_cast %reduce_sum3A_10 : vector<2048xf32> to vector<1x2048xf32>
    %add3A = vector.broadcast %broadcast_in_dim3A : vector<2048x1xf32> to vector<2048x2048xf32>
    %add3A_12 = vector.broadcast %broadcast_in_dim3A_11 : vector<1x2048xf32> to vector<2048x2048xf32>
    %add3A_13 = arith.addf %add3A, %add3A_12 : vector<2048x2048xf32>
    %mul3A_14 = arith.constant 2.000000e+00 : f32
    %mul3A_15 = vector.broadcast %mul3A_14 : f32 to vector<2048x2048xf32>
    %mul3A_16 = arith.mulf %mul3A_15, %dot_general3A_6 : vector<2048x2048xf32>
    %sub3A = arith.subf %add3A_13, %mul3A_16 : vector<2048x2048xf32>
    %reduce_min3A = arith.constant dense<0x7F800000> : vector<2048xf32>
    %reduce_min3A_17 = vector.multi_reduction <minimumf>, %sub3A, %reduce_min3A [1] : vector<2048x2048xf32> to vector<2048xf32>
    %broadcast_in_dim3A_18 = vector.shape_cast %reduce_min3A_17 : vector<2048xf32> to vector<2048x1xf32>
    %iota3A = tpu.iota {dimensions = array<i32: 1>} : vector<2048x2048xi32>
    %convert_element_type3A_19 = arith.sitofp %iota3A : vector<2048x2048xi32> to vector<2048x2048xf32>
    %le3A = vector.broadcast %broadcast_in_dim3A_18 : vector<2048x1xf32> to vector<2048x2048xf32>
    %le3A_20 = arith.cmpf ole, %sub3A, %le3A : vector<2048x2048xf32>
    %jit3A = arith.constant 1.07374182E+9 : f32
    %broadcast_in_dim3A_21 = vector.broadcast %jit3A : f32 to vector<2048x2048xf32>
    %select_n3A = arith.select %le3A_20, %convert_element_type3A_19, %broadcast_in_dim3A_21 : vector<2048x2048xi1>, vector<2048x2048xf32>
    %reduce_min3A_22 = arith.constant dense<0x7F800000> : vector<2048xf32>
    %reduce_min3A_23 = vector.multi_reduction <minimumf>, %select_n3A, %reduce_min3A_22 [1] : vector<2048x2048xf32> to vector<2048xf32>
    %broadcast_in_dim3A_24 = vector.shape_cast %reduce_min3A_23 : vector<2048xf32> to vector<2048x1xf32>
    %convert_element_type3A_25 = arith.fptosi %broadcast_in_dim3A_24 : vector<2048x1xf32> to vector<2048x1xi32>
    %mul3A_26 = arith.constant 2048 : i32
    %mul3A_27 = arith.muli %arg1, %mul3A_26 : i32
    %add3A_28 = vector.broadcast %mul3A_27 : i32 to vector<2048x1xi32>
    %add3A_29 = arith.addi %convert_element_type3A_25, %add3A_28 : vector<2048x1xi32>
    %eq3A = arith.constant 0 : i32
    %eq3A_30 = arith.cmpi eq, %arg1, %eq3A : i32
    %convert_element_type3A_31 = arith.extui %eq3A_30 : i1 to i32
    %cond3A = arith.constant 0 : i32
    %cond3A_32 = arith.cmpi ne, %convert_element_type3A_31, %cond3A : i32
    scf.if %cond3A_32 {
      %swap3A = arith.constant 0 : index
      %swap3A_57 = arith.constant 0 : index
      %swap3A_58 = vector.load %arg4[%swap3A, %swap3A_57] : memref<2048x1xf32, #tpu.memory_space<vmem>>, vector<2048x1xf32>
      tpu.vector_store %arg4[%swap3A, %swap3A_57], %broadcast_in_dim3A_18 {strides = array<i32>} : memref<2048x1xf32, #tpu.memory_space<vmem>>, vector<2048x1xf32>,
      %swap3A_59 = arith.constant 0 : index
      %swap3A_60 = arith.constant 0 : index
      %swap3A_61 = vector.load %arg5[%swap3A_59, %swap3A_60] : memref<2048x1xi32, #tpu.memory_space<vmem>>, vector<2048x1xi32>
      tpu.vector_store %arg5[%swap3A_59, %swap3A_60], %add3A_29 {strides = array<i32>} : memref<2048x1xi32, #tpu.memory_space<vmem>>, vector<2048x1xi32>,
    } else {
    }
    %gt3A = arith.constant 0 : i32
    %gt3A_33 = arith.cmpi sgt, %arg1, %gt3A : i32
    %jit3A_34 = arith.constant 1 : i32
    %eq3A_35 = arith.constant 0 : i32
    %eq3A_36 = arith.cmpi eq, %jit3A_34, %eq3A_35 : i32
    %jit3A_37 = arith.constant 1 : i32
    %select_n3A_38 = arith.select %eq3A_36, %jit3A_37, %jit3A_34 : i32
    %rem3A = arith.remsi %arg1, %select_n3A_38 : i32
    %ne3A = arith.constant 0 : i32
    %ne3A_39 = arith.cmpi ne, %rem3A, %ne3A : i32
    %lt3A = arith.constant 0 : i32
    %lt3A_40 = arith.cmpi slt, %rem3A, %lt3A : i32
    %lt3A_41 = arith.constant 0 : i32
    %lt3A_42 = arith.cmpi slt, %select_n3A_38, %lt3A_41 : i32
    %ne3A_43 = arith.xori %lt3A_40, %lt3A_42 : i1
    %and3A = arith.andi %ne3A_43, %ne3A_39 : i1
    %add3A_44 = arith.addi %rem3A, %select_n3A_38 : i32
    %select_n3A_45 = arith.select %and3A, %add3A_44, %rem3A : i32
    %eq3A_46 = arith.constant 0 : i32
    %eq3A_47 = arith.cmpi eq, %select_n3A_45, %eq3A_46 : i32
    %and3A_48 = arith.andi %gt3A_33, %eq3A_47 : i1
    %convert_element_type3A_49 = arith.extui %and3A_48 : i1 to i32
    %cond3A_50 = arith.constant 0 : i32
    %cond3A_51 = arith.cmpi ne, %convert_element_type3A_49, %cond3A_50 : i32
    scf.if %cond3A_51 {
      %get3A_57 = arith.constant 0 : index
      %get3A_58 = arith.constant 0 : index
      %get3A_59 = vector.load %arg4[%get3A_57, %get3A_58] : memref<2048x1xf32, #tpu.memory_space<vmem>>, vector<2048x1xf32>
      %convert_element_type3A_60 = arith.truncf %get3A_59 : vector<2048x1xf32> to vector<2048x1xbf16>
      %convert_element_type3A_61 = arith.extf %convert_element_type3A_60 : vector<2048x1xbf16> to vector<2048x1xf32>
      %swap3A = arith.constant 0 : index
      %swap3A_62 = arith.constant 0 : index
      %swap3A_63 = vector.load %arg4[%swap3A, %swap3A_62] : memref<2048x1xf32, #tpu.memory_space<vmem>>, vector<2048x1xf32>
      tpu.vector_store %arg4[%swap3A, %swap3A_62], %convert_element_type3A_61 {strides = array<i32>} : memref<2048x1xf32, #tpu.memory_space<vmem>>, vector<2048x1xf32>,
    } else {
    }
    %gt3A_52 = arith.constant 0 : i32
    %gt3A_53 = arith.cmpi sgt, %arg1, %gt3A_52 : i32
    %convert_element_type3A_54 = arith.extui %gt3A_53 : i1 to i32
    %cond3A_55 = arith.constant 0 : i32
    %cond3A_56 = arith.cmpi ne, %convert_element_type3A_54, %cond3A_55 : i32
    scf.if %cond3A_56 {
      %get3A_57 = arith.constant 0 : index
      %get3A_58 = arith.constant 0 : index
      %get3A_59 = vector.load %arg4[%get3A_57, %get3A_58] : memref<2048x1xf32, #tpu.memory_space<vmem>>, vector<2048x1xf32>
      %get3A_60 = arith.constant 0 : index
      %get3A_61 = arith.constant 0 : index
      %get3A_62 = vector.load %arg5[%get3A_60, %get3A_61] : memref<2048x1xi32, #tpu.memory_space<vmem>>, vector<2048x1xi32>
      %lt3A_63 = arith.cmpf olt, %broadcast_in_dim3A_18, %get3A_59 : vector<2048x1xf32>
      %select_n3A_64 = arith.select %lt3A_63, %broadcast_in_dim3A_18, %get3A_59 : vector<2048x1xi1>, vector<2048x1xf32>
      %swap3A = arith.constant 0 : index
      %swap3A_65 = arith.constant 0 : index
      %swap3A_66 = vector.load %arg4[%swap3A, %swap3A_65] : memref<2048x1xf32, #tpu.memory_space<vmem>>, vector<2048x1xf32>
      tpu.vector_store %arg4[%swap3A, %swap3A_65], %select_n3A_64 {strides = array<i32>} : memref<2048x1xf32, #tpu.memory_space<vmem>>, vector<2048x1xf32>,
      %select_n3A_67 = arith.select %lt3A_63, %add3A_29, %get3A_62 : vector<2048x1xi1>, vector<2048x1xi32>
      %swap3A_68 = arith.constant 0 : index
      %swap3A_69 = arith.constant 0 : index
      %swap3A_70 = vector.load %arg5[%swap3A_68, %swap3A_69] : memref<2048x1xi32, #tpu.memory_space<vmem>>, vector<2048x1xi32>
      tpu.vector_store %arg5[%swap3A_68, %swap3A_69], %select_n3A_67 {strides = array<i32>} : memref<2048x1xi32, #tpu.memory_space<vmem>>, vector<2048x1xi32>,
    } else {
    }
    return
  }
  func.func @transform_0(%arg0: i32, %arg1: i32) -> (i32, i32) {
    %c0_i32 = arith.constant 0 : i32
    %c0_i32_0 = arith.constant 0 : i32
    return %arg0, %c0_i32 : i32, i32
  }
  func.func @transform_1(%arg0: i32, %arg1: i32) -> (i32, i32) {
    %c0_i32 = arith.constant 0 : i32
    %c0_i32_0 = arith.constant 0 : i32
    return %arg1, %c0_i32 : i32, i32
  }
  func.func @transform_2(%arg0: i32, %arg1: i32) -> (i32, i32) {
    %c0_i32 = arith.constant 0 : i32
    %c0_i32_0 = arith.constant 0 : i32
    return %arg0, %c0_i32 : i32, i32
  }
  func.func @transform_3(%arg0: i32, %arg1: i32) -> (i32, i32) {
    %c0_i32 = arith.constant 0 : i32
    %c0_i32_0 = arith.constant 0 : i32
    return %arg0, %c0_i32 : i32, i32
  }
}

</mosaic_0001>

<sc_bundles>
// kernel: kernel.4.cloned.1.call-start
scs
__scs_entry_jumppad:
0x0: {  	(pc) =	sbr.rel $0x88, $3  }
0x1: {  	(tag) =	ssettag $0x0;
	lr =	simm.s32 $0x1  }
0x2: {  	[smem:$0x3F8F] =	sst lr;
	_ =	strace $0xD0000000  }
0x3: {  	_ = 	snop  }
0x4: {  	_ = 	snop  }
0x5: {  	_ = 	snop  }
0x6: {  	_ = 	snop  }
0x7: {  	_ = 	snop  }
__scs_overlays_trampoline_lowered:
0x8: {  	[smem:$0x3F9E] =	sst s0  }
0x9: {  	[smem:$0x3F9F] =	sst s1  }
0xa: {  	[smem:$0x3FA0] =	sst s2  }
0xb: {  	[smem:$0x3FA1] =	sst s3  }
0xc: {  	[smem:$0x3FA2] =	sst s4  }
0xd: {  	[smem:$0x3FA3] =	sst s5  }
0xe: {  	[smem:$0x3FA4] =	sst s6  }
0xf: {  	[smem:$0x3FA5] =	sst s7  }
0x10: {  	[smem:$0x3FA6] =	sst s8  }
0x11: {  	[smem:$0x3FA7] =	sst s9;
	s0 =	simm.s32 @!p0 $0x0  }
0x12: {  	s1 =	sld [smem:$0x3F8D];
	s0 =	simm.s32 @p0 $0x1  }
0x13: {  	[smem:$0x3FA8] =	sst s0;
	s0 =	simm.s32 @!p1 $0x0  }
0x14: {  	s2 =	sld [smem:$0x3F8C];
	s0 =	simm.s32 @p1 $0x1  }
0x15: {  	[smem:$0x3FA9] =	sst s0;
	s0 =	simm.s32 @!p2 $0x0  }
0x16: {  	s3 =	sld [smem:$0x3FDB];
	s0 =	simm.s32 @p2 $0x1  }
0x17: {  	s4 =	simm.s32 $0x1BF5;
	[smem:$0x3FAB] =	sst s0  }
0x18: {  	s0 =	sld [smem:$0x3F8E];
	_ =	swait.ge [sflag:s4], $0x0  }
0x19: {  	s7 =	sld [smem:$0x3F8F]  }
0x1a: {  	s8 =	sadd.s32 $0xFFFFE003, lr  }
0x1b: {  	s9 =	sadd.s32 $0xFFFFFEF7, lr;
	s5 =	simm.s32 $0xFFFFFFFF;
	p2 =	slt.u32 s8, $0xFFFFF086  }
0x1c: {  	p1 =	slt.u32 s9, $0xF7A;
	s5 =	simm.s32 @!p2 $0x0  }
0x1d: {  	s5 =	simm.s32 @p1 $0x1;
	p0 =	seq.s32 s7, s2  }
0x1e: {  	s7 =	smul.u32 @!p0 $0xF7A, s2;
	p2 =	seq.s32 @!p0 s5, $0x0  }
0x1f: {  	s9 =	smul.u32 $0xF7A, s1;
	s8 =	simm.s32 @!p0 $0x1BF5;
	p2 =	por !p2, p0  }
0x20: {  	[sflag:s8] =	ssyncset.s32 @!p0 $0xFFFFF086;
	s6 =	sadd.s32 @!p0 s3, s7;
	s7 =	simm.s32 @!p0 $0x108  }
0x21: {  	s3 =	sadd.s32 s3, s9;
	s6 =	sadd.s32 @!p0 $0x88, s6;
	s7 =	simm.s32 @p2 $0x1082  }
0x22: {  	[simem:s7], [sflag:s8] =	dma.local @!p0 [hbm:s6], $0xF7A  }
0x23: {  	s9 =	sor.u32 $0xD0000000, s2;
	s6 =	simm.s32 $0x108;
	_ =	swait.ge @!p0 [sflag:s8], $0x0  }
0x24: {  	s3 =	sadd.s32 $0x88, s3;
	s6 =	simm.s32 @!p1 $0x1082;
	[sflag:s4] =	ssyncset.s32 $0xFFFFF086  }
0x25: {  	[simem:s6], [sflag:s4] =	dma.local [hbm:s3], $0xF7A  }
0x26: {  	[smem:$0x3F8F] =	sst s1;
	(tag) =	ssettag s2;
	_ =	strace s9  }
0x27: {  	s1 =	sld [smem:$0x3F9F]  }
0x28: {  	s2 =	sld [smem:$0x3FA0]  }
0x29: {  	s4 =	sld [smem:$0x3FA2]  }
0x2a: {  	p0 =	seq.s32 s5, $0x0;
	s5 =	sld [smem:$0x3FA3]  }
0x2b: {  	s6 =	sld [smem:$0x3FA4]  }
0x2c: {  	s7 =	sld [smem:$0x3FA5]  }
0x2d: {  	s3 =	simm.s32 $0x108;
	s8 =	sld [smem:$0x3FA6]  }
0x2e: {  	s3 =	simm.s32 @!p0 $0x1082;
	s9 =	sld [smem:$0x3FA7]  }
0x2f: {  	lr =	sadd.s32 s0, s3;
	s0 =	sld [smem:$0x3F9E]  }
0x30: {  	s3 =	sld [smem:$0x3FA1]  }
0x31: {  	[smem:$0x3FAA] =	sst s10  }
0x32: {  	s10 =	sld [smem:$0x3FA8];
	_ =	sdelay $0x3  }
0x33: {  	p0 =	seq.s32 s10, $0x1;
	s10 =	sld [smem:$0x3FAA];
	_ =	sdelay $0x3  }
0x34: {  	[smem:$0x3FAA] =	sst s10  }
0x35: {  	s10 =	sld [smem:$0x3FA9];
	_ =	sdelay $0x3  }
0x36: {  	p1 =	seq.s32 s10, $0x1;
	s10 =	sld [smem:$0x3FAA];
	_ =	sdelay $0x3  }
0x37: {  	[smem:$0x3FAA] =	sst s10  }
0x38: {  	s10 =	sld [smem:$0x3FAB]  }
0x39: {  	_ = 	snop;
	(pc) =	sbr.ind lr, $3  }
0x3a: {  	_ = 	snop  }
0x3b: {  	_ = 	snop  }
0x3c: {  	p2 =	seq.s32 s10, $0x1;
	s10 =	sld [smem:$0x3FAA]  }
0x3d: {  	_ =	shalt  }
0x3e: {  	_ =	shalt  }
0x3f: {  	_ =	shalt  }
0x40: {  	_ =	shalt  }
0x41: {  	_ =	shalt  }
0x42: {  	_ =	shalt  }
0x43: {  	_ =	shalt  }
0x44: {  	_ =	shalt  }
0x45: {  	_ =	shalt  }
0x46: {  	_ =	shalt  }
0x47: {  	_ =	shalt  }
0x48: {  	_ =	shalt  }
0x49: {  	_ =	shalt  }
0x4a: {  	_ =	shalt  }
0x4b: {  	_ =	shalt  }
0x4c: {  	_ =	shalt  }
0x4d: {  	_ =	shalt  }
0x4e: {  	_ =	shalt  }
0x4f: {  	_ =	shalt  }
0x50: {  	_ =	shalt  }
0x51: {  	_ =	shalt  }
0x52: {  	_ =	shalt  }
0x53: {  	_ =	shalt  }
0x54: {  	_ =	shalt  }
0x55: {  	_ =	shalt  }
0x56: {  	_ =	shalt  }
0x57: {  	_ =	shalt  }
0x58: {  	_ =	shalt  }
0x59: {  	_ =	shalt  }
0x5a: {  	_ =	shalt  }
0x5b: {  	_ =	shalt  }
0x5c: {  	_ =	shalt  }
0x5d: {  	_ =	shalt  }
0x5e: {  	_ =	shalt  }
0x5f: {  	_ =	shalt  }
0x60: {  	_ =	shalt  }
0x61: {  	_ =	shalt  }
0x62: {  	_ =	shalt  }
0x63: {  	_ =	shalt  }
0x64: {  	_ =	shalt  }
0x65: {  	_ =	shalt  }
0x66: {  	_ =	shalt  }
0x67: {  	_ =	shalt  }
0x68: {  	_ =	shalt  }
0x69: {  	_ =	shalt  }
0x6a: {  	_ =	shalt  }
0x6b: {  	_ =	shalt  }
0x6c: {  	_ =	shalt  }
0x6d: {  	_ =	shalt  }
0x6e: {  	_ =	shalt  }
0x6f: {  	_ =	shalt  }
0x70: {  	_ =	shalt  }
0x71: {  	_ =	shalt  }
0x72: {  	_ =	shalt  }
0x73: {  	_ =	shalt  }
0x74: {  	_ =	shalt  }
0x75: {  	_ =	shalt  }
0x76: {  	_ =	shalt  }
0x77: {  	_ =	shalt  }
0x78: {  	_ =	shalt  }
0x79: {  	_ =	shalt  }
0x7a: {  	_ =	shalt  }
0x7b: {  	_ =	shalt  }
0x7c: {  	_ =	shalt  }
0x7d: {  	_ =	shalt  }
0x7e: {  	_ =	shalt  }
0x7f: {  	_ =	shalt  }
0x80: {  	_ =	shalt  }
0x81: {  	_ =	shalt  }
0x82: {  	_ =	shalt  }
0x83: {  	_ =	shalt  }
0x84: {  	_ =	shalt  }
0x85: {  	_ =	shalt  }
0x86: {  	_ =	shalt  }
0x87: {  	_ =	shalt  }
.Lfunc_end0:
.L_simem_size_0:
called_computation_lowered:
.L_overlay_start_0:
0x88: {  	s2 =	sld [smem:$0x3FD9]  }
0x89: {  	s3 =	sld [smem:$0x3FFE];
	_ =	sdelay $0x1  }
0x8a: {  	s1 =	srdreg.scid  }
0x8b: {  	s0 =	sand.u32 $0x1, s1  }
0x8c: {  	s14 =	sshll.u32 s0, $0xA;
	s2 =	sadd.s32 s3, s2  }
0x8d: {  	s2 =	sadd.s32 s2, s14  }
0x8e: {  	[smem:$0x3FB6] =	sst s2  }
0x8f: {  	_ = 	snop  }
0x90: {  	s2 =	sld [smem:$0x3FD0];
	_ =	sdelay $0x2  }
0x91: {  	s15 =	simm.s32 $0xA;
	s4 =	simm.s32 $0x10  }
0x92: {  	[smem:s4], [sflag:s15] =	dma.local [hbm:s2], $0x1  }
0x93: {  	_ =	swait.eq [sflag:s15], $0x1  }
0x94: {  	[sflag:s15] =	ssyncset.done $0x0  }
0x95: {  	[sflag:s15] =	ssyncadd.s32 $0xFFFFFFFF  }
0x96: {  	s16 =	sld [smem:$0x11];
	(tm) =	ssettm $0x1  }
0x97: {  	s17 =	sld [smem:$0x3FFB];
	_ =	sdelay $0x3  }
0x98: {  	_ =	strace s17  }
0x99: {  	s3 =	sld [smem:$0x3FFC];
	_ =	sdelay $0x3  }
0x9a: {  	_ =	strace s3  }
0x9b: {  	s3 =	sld [smem:$0x3FFD];
	_ =	sdelay $0x3  }
0x9c: {  	_ =	strace s3  }
0x9d: {  	_ =	strace $0x8FFFFFFF  }
0x9e: {  	s18 =	sld [smem:$0x3FDB];
	_ =	sdelay $0x1  }
0x9f: {  	s19 =	simm.s32 $_scs_section_size  }
0xa0: {  	s5 =	simm.s32 $_size__tile_overlayer_lowered;
	s6 =	simm.s32 $_tile_overlayer_lowered  }
0xa1: {  	s22 =	simm.s32 $0x1BFF;
	s21 =	sshll.u32 s6, $0x1;
	s3 =	sadd.s32 s19, s18  }
0xa2: {  	s7 =	simm.s32 $0x0;
	s20 =	sshll.u32 s5, $0x1;
	s5 =	sadd.s32 s21, s3  }
0xa3: {  	[timem:s7], [sflag:s22] =	dma.local [hbm:s5], s20  }
0xa4: {  	_ =	swait.ge [sflag:s22], s20  }
0xa5: {  	s4 =	ssub.s32 $0x0, s20;
	[sflag:s22] =	ssyncset.done $0x0  }
0xa6: {  	[sflag:s22] =	ssyncadd.s32 s4;
	_ =	sdelay $0x1  }
0xa7: {  	s23 =	simm.s32 $0x1B8B  }
0xa8: {  	_ =	swait.ge [sflag:s23], $0x1  }
0xa9: {  	[sflag:s23] =	ssyncset.done $0x0  }
0xaa: {  	s25 =	simm.s32 $0x1B8E;
	s24 =	sld [smem:$0x3FFE];
	[sflag:s23] =	ssyncadd.s32 $0xFFFFFFFF  }
0xab: {  	s26 =	simm.s32 $execute0_lowered;
	[smem:$0x3FD2] =	sst s25  }
0xac: {  	s5 =	sshll.u32 s26, $0x1;
	_ =	strace $0x80000046;
	[dreg:$0x1] =	wrdreg $0xFFFFFFFF  }
0xad: {  	s28 =	simm.s32 $_size_execute0_lowered;
	s3 =	sadd.s32 s3, s5;
	[dreg:$0x0] =	wrdreg $0x0  }
0xae: {  	s5 =	sshll.u32 s28, $0x1;
	[dreg:$0x2] =	wrdreg s3  }
0xaf: {  	[dreg:$0x3] =	wrdreg s5  }
0xb0: {  	[dreg:$0x4] =	wrdreg $0xC0  }
0xb1: {  	_ =	task [dreg:s7], $0x5FFFF  }
0xb2: {  	[dreg:$0x1] =	wrdreg $0xFFFFFFFF  }
0xb3: {  	[dreg:$0x0] =	wrdreg $0x60  }
0xb4: {  	[dreg:$0x2] =	wrdreg s24  }
0xb5: {  	[dreg:$0x3] =	wrdreg s16  }
0xb6: {  	[dreg:$0x4] =	wrdreg $0x9  }
0xb7: {  	_ =	task.clear_ibuf [dreg:s7], $0x5FFFF;
	_ =	strace $0x90000046  }
0xb8: {  	s29 =	simm.s32 $0x9;
	_ =	strace $0x80000048  }
0xb9: {  	_ =	swait.ge [sflag:s29], $0x1  }
0xba: {  	[sflag:s29] =	ssyncadd.s32 $0xFFFFFFFF  }
0xbb: {  	_ =	strace $0x90000048  }
0xbc: {  	_ =	sfence  }
0xbd: {  	s30 =	sld [smem:$0x0];
	_ =	sdelay $0x2  }
0xbe: {  	s31 =	sshll.u32 s1, $0xD;
	s1 =	sshrl.u32 s1, $0x2  }
0xbf: {  	s3 =	sand.u32 $0x4000, s31;
	s1 =	sadd.s32 s1, s30  }
0xc0: {  	s0 =	sor.u32 s3, s0;
	s1 =	sshll.u32 s1, $0x11  }
0xc1: {  	s0 =	sor.u32 s1, s0  }
0xc2: {  	s0 =	sadd.s32 $0x8F2B, s0  }
0xc3: {  	[sflag:s0] =	ssyncadd.remote.s32 $0x1  }
0xc4: {  	_ =	sfence.sel $0xFFFF  }
0xc5: {  	[dreg:$0x0] =	wrdreg $0xFFFFFFFF;
	(pc) =	sbr.abs _section_cstart, $3  }
0xc6: {  	[dreg:$0x1] =	wrdreg $0xFFFFFFFF  }
0xc7: {  	_ =	task.clear_ibuf [dreg:s7], $0x2FFFF;
	_ =	strace $0x9FFFFFFF  }
0xc8: {  	(tm) =	ssettm $0x7FFFFFFF  }
0xc9: {  	_ =	shalt  }
tec
execute0_lowered:
.L_overlay_start_1:
0x0: {  	(tag) =	ssettag $0x1  }
0x1: {  	s1 =	srdreg.scid;
	s2 =	rddreg [dreg:$0x0]  }
0x2: {  	s0 =	stileid.u32;
	s4 =	rddreg [dreg:$0x1];
	s6 =	sand.u32 $0x1, s1  }
0x3: {  	s3 =	simm.s32 $0x0;
	s5 =	sshll.u32 s0, $0x9;
	s7 =	sshll.u32 s6, $0x8  }
0x4: {  	[smem:$0x7FF] =	sst s3;
	s8 =	sor.u32 s7, s5  }
0x5: {  	s1 =	rddreg [dreg:$0x2];
	_ =	strace $0x80000047;
	s5 =	sshrl.u32 s8, $0x3  }
0x6: {  	s9 =	ssub.s32 $0x2, s6;
	s5 =	sadd.s32 s4, s5;
	s4 =	simm.s32 $0x2  }
0x7: {  	[tilespmem:s3], [sflag:$0x2] =	stream.linear.gather [hbm4b:s5+s3], $0x100, $0x38;
	[tilespmem:$0x8100] =	vst v63  }
0x8: {  	s10 =	sshrl.u32 s9, $0x1;
	_ =	swait.ge [sflag:s4], $0x100  }
0x9: {  	s6 =	simm.s32 $0x100;
	s9 =	ssub.s32 s9, s10;
	[sflag:s4] =	ssyncset.done $0x0  }
0xa: {  	s7 =	simm.s32 $0x1;
	s9 =	smax.u32 s9, $0x1;
	[sflag:s4] =	ssyncadd.s32 $0xFFFFFF00  }
0xb: {  	[tilespmem:s6], [sflag:$0x1] =	stream.indirect.gather [hbm4b:s2+s6], $0x80, s3, s6, $0xb8;
	[tilespmem:$0x8100] =	vst v63  }
0xc: {  	s8 =	sshll.u32 s8, $0x4;
	p0 =	sne.s32 s9, $0x1;
	_ =	swait.ge [sflag:s7], $0x8000  }
.Ltmp0:
0xd: {  	s8 =	sadd.s32 s8, s2;
	[sflag:s7] =	ssyncset.done $0x0;
	(pc) =	sbr.rel @!p0 .LBB2_2-.Ltmp0, $4  }
0xe: {  	s8 =	sadd.s32 $0x20000, s8;
	[sflag:s7] =	ssyncadd.s32 $0xFFFF8000  }
0xf: {  	[hbm4b:s8+s3] =	stream.linear.scatter [tilespmem:s6], [sflag:$0x2], $0x8000, $0x38;
	[tilespmem:$0x8100] =	vst v63  }
0x10: {  	_ =	swait.ge [sflag:s4], $0x8000  }
0x11: {  	s9 =	sadd.s32 $0xFFFFFFFF, s9;
	[sflag:s4] =	ssyncset.done $0x0  }
.LBB2_1:
0x12: {  	p0 =	sne.s32 s9, $0x1;
	s9 =	sadd.s32 $0xFFFFFFFF, s9;
	[sflag:s4] =	ssyncadd.s32 $0xFFFF8000  }
0x13: {  	[tilespmem:s3], [sflag:$0x2] =	stream.linear.gather [hbm4b:s5+s3], $0x100, $0x38;
	[tilespmem:$0x8100] =	vst v63  }
0x14: {  	_ =	swait.ge [sflag:s4], $0x100  }
0x15: {  	[sflag:s4] =	ssyncset.done $0x0  }
0x16: {  	[sflag:s4] =	ssyncadd.s32 $0xFFFFFF00  }
0x17: {  	[tilespmem:s6], [sflag:$0x1] =	stream.indirect.gather [hbm4b:s2+s6], $0x80, s3, s6, $0xb8;
	[tilespmem:$0x8100] =	vst v63  }
0x18: {  	_ =	swait.ge [sflag:s7], $0x8000  }
.Ltmp1:
0x19: {  	[sflag:s7] =	ssyncset.done $0x0;
	(pc) =	sbr.rel @p0 .LBB2_1-.Ltmp1, $4  }
0x1a: {  	[sflag:s7] =	ssyncadd.s32 $0xFFFF8000  }
0x1b: {  	[hbm4b:s8+s3] =	stream.linear.scatter [tilespmem:s6], [sflag:$0x2], $0x8000, $0x38;
	[tilespmem:$0x8100] =	vst v63  }
0x1c: {  	_ =	swait.ge [sflag:s4], $0x8000  }
0x1d: {  	[sflag:s4] =	ssyncset.done $0x0  }
.LBB2_2:
0x1e: {  	[sflag:s4] =	ssyncadd.s32 $0xFFFF8000  }
0x1f: {  	_ =	sfence.sel $0x180000  }
0x20: {  	[bflag:$0x0] =	sbarrier.arrive $0xFFFF  }
0x21: {  	p0 =	sne.s32 s0, $0x0;
	_ =	strace $0x90000047  }
0x22: {  	s0 =	sadd.s32 @!p0 $0x100000, s1;
	[bflag:$0x2] =	sbarrier.arrive $0xFFFF  }
0x23: {  	[sflag:s0] =	ssyncadd.tile.s32 @!p0 $0x1;
	_ =	shalt  }
.Lfunc_end2:
_tile_overlayer_lowered:
.L_overlay_start_2:
0x24: {  	(tag) =	ssettag $0x2  }
0x25: {  	s0 =	rddreg [dreg:$0x0];
	s2 =	stileid.u32  }
0x26: {  	s1 =	rddreg [dreg:$0x1];
	p0 =	sne.s32 s2, $0x0  }
0x27: {  	s3 =	rddreg [dreg:$0x2];
	[bflag:$0x3] =	sbarrier.arrive $0xFFFF;
	s2 =	simm.s32 @!p0 $0x1C02  }
0x28: {  	[timem:s3], [sflag:s2] =	dma.local @!p0 [hbm:s0], s1  }
0x29: {  	s0 =	simm.s32 @!p0 $0x2  }
0x2a: {  	_ =	swait.ge @!p0 [sflag:s0], s1  }
0x2b: {  	s1 =	ssub.s32 @!p0 $0x0, s1;
	[sflag:s0] =	ssyncset.done @!p0 $0x0  }
0x2c: {  	[sflag:s0] =	ssyncadd.s32 @!p0 s1  }
0x2d: {  	[bflag:$0x3] =	sbarrier.arrive $0xFFFF  }
0x2e: {  	_ =	shalt  }

</sc_bundles>
